<compile_context>
chip_gen: v7x
topology: tpu7x:2x2x1
jax: 0.10.2.dev20260603
libtpu: 0.0.44.dev20260713+nightly
codegen_flags: <defaults>
</compile_context>

<pallas_src>
import functools

import jax
import jax.numpy as jnp
from jax import lax
from jax.experimental import pallas as pl
from jax.experimental.pallas import tpu as pltpu
from jax.experimental.pallas import tpu_sc as plsc

VOCAB = 1000000
EMBED = 64
BATCH = 16384
HIST = 50

B = BATCH * HIST
NC, NS = 2, 16
NW = NC * NS
CHUNK = 512
CPH = BATCH // CHUNK
NCHUNK = B // CHUNK
PER_W = NCHUNK // NW
NBUF = 2


def _make_gather():
    mesh = plsc.VectorSubcoreMesh(core_axis_name="c", subcore_axis_name="s")

    @functools.partial(
        pl.kernel,
        mesh=mesh,
        out_type=jax.ShapeDtypeStruct((HIST, BATCH, EMBED), jnp.float32),
        compiler_params=pltpu.CompilerParams(use_tc_tiling_on_sc=False),
        scratch_types=(
            [pltpu.VMEM((CHUNK,), jnp.int32) for _ in range(NBUF)]
            + [pltpu.VMEM((CHUNK, EMBED), jnp.float32) for _ in range(NBUF)]
            + [pltpu.SemaphoreType.DMA for _ in range(NBUF)]
        ),
    )
    def gather_kernel(idx_hbm, table_hbm, out_hbm,
                      idx0, idx1, rows0, rows1, gsem0, gsem1):
        wid = lax.axis_index("s") * NC + lax.axis_index("c")
        idx_v = [idx0, idx1]
        rows_v = [rows0, rows1]
        gsems = [gsem0, gsem1]

        def start(i, s):
            c = wid + i * NW
            off = c * CHUNK
            pltpu.sync_copy(idx_hbm.at[pl.ds(off, CHUNK)], idx_v[s])
            pltpu.async_copy(table_hbm.at[idx_v[s]], rows_v[s], gsems[s])

        def drain(i, s):
            c = wid + i * NW
            h = c // CPH
            b0 = (c % CPH) * CHUNK
            pltpu.make_async_copy(table_hbm.at[idx_v[s]], rows_v[s],
                                  gsems[s]).wait()
            pltpu.sync_copy(rows_v[s], out_hbm.at[h, pl.ds(b0, CHUNK)])

        start(0, 0)

        def body(i, carry):
            for s in range(NBUF):
                @pl.when((i % NBUF) == s)
                def _():
                    start(i, s)
            for s in range(NBUF):
                @pl.when(((i - 1) % NBUF) == s)
                def _():
                    drain(i - 1, s)
            return carry

        lax.fori_loop(1, PER_W, body, 0)
        for s in range(NBUF):
            @pl.when(((PER_W - 1) % NBUF) == s)
            def _():
                drain(PER_W - 1, s)

    return gather_kernel


_gather = _make_gather()


def kernel(data, iword_indicator, iword_numerals, ivectors_weight):
    idx = data.T.reshape(-1).astype(jnp.int32)
    out3 = _gather(idx, ivectors_weight)
    embed = out3.transpose(1, 0, 2)
    if iword_numerals.shape[0] == 0:
        return embed
    numerals = jnp.sign(iword_numerals) * jnp.log(jnp.abs(iword_numerals) + 1.0)
    ne = jnp.ones((EMBED, numerals.shape[0]), jnp.float32).at[0].set(numerals)
    ne = ne.T / (EMBED * 2)
    flat2 = embed.reshape(-1, EMBED)
    mask = iword_indicator.reshape(-1)
    pos = jnp.nonzero(mask, size=iword_numerals.shape[0])[0]
    return flat2.at[pos].set(ne).reshape(embed.shape)

# --- scband reference (transcript-rebuilt; emitter-appended) ---
"""Pipeline reference for scband-word2-vec-fixed-60722247631360 (READ-ONLY COPY).

The authoritative reference and input builder live on the scoring server;
editing this copy changes nothing except your own understanding.
"""

import jax, jax.numpy as jnp
import numpy as np

VOCAB = 1000000
EMBED = 64
BATCH = 16384
HIST = 50


def weighted_log(x):
    # stand-in for the undefined numeral_weighted_fn default (weighted_log)
    return jnp.sign(x) * jnp.log(jnp.abs(x) + 1.0)


def get_numeral_embed_batch(numerals):
    numerals = weighted_log(numerals)
    embed = jnp.ones((EMBED, numerals.shape[0]), dtype=jnp.float32)
    embed = embed.at[0].set(numerals)
    embed = embed.T
    embed = embed / (EMBED * 2)
    return embed


def setup_inputs(seed: int = 0) -> dict:
    key = jax.random.key(seed)
    k1, k2 = jax.random.split(key, 2)
    data = jax.random.randint(k1, (BATCH, HIST), 0, VOCAB, dtype=jnp.int64 if jax.config.jax_enable_x64 else jnp.int32)
    iword_indicator = jnp.zeros((BATCH, HIST), dtype=bool)
    iword_numerals = jnp.zeros((0,), dtype=jnp.float32)
    bound = 0.5 / EMBED
    ivectors_weight = jnp.concatenate([
        jnp.zeros((1, EMBED), dtype=jnp.float32),
        jax.random.uniform(k2, (VOCAB - 1, EMBED), minval=-bound, maxval=bound, dtype=jnp.float32),
    ], axis=0)
    return {
        'data': data,
        'iword_indicator': iword_indicator,
        'iword_numerals': iword_numerals,
        'ivectors_weight': ivectors_weight,
    }


def reference(data, iword_indicator, iword_numerals, ivectors_weight):
    # forward_i: embedding gather, then optional overwrite of numeral positions
    embed = jnp.take(ivectors_weight, data, axis=0)
    if iword_numerals.shape[0] == 0:
        return embed
    numeral_embed = get_numeral_embed_batch(iword_numerals)
    flat = embed.reshape(-1, EMBED)
    mask = iword_indicator.reshape(-1)
    idx = jnp.nonzero(mask, size=iword_numerals.shape[0])[0]
    flat = flat.at[idx].set(numeral_embed)
    return flat.reshape(embed.shape)

if __name__ == "__main__":
    import jax
    _d = setup_inputs()
    print(jax.jit(kernel)(*tuple(_d.values())))

</pallas_src>

<mosaic_0001>
#map = affine_map<(d0, d1) -> (0)>
#map1 = affine_map<(d0, d1) -> (0, 0)>
#map2 = affine_map<(d0, d1) -> (0, 0, 0)>
module attributes {stable_mosaic.version = 14 : i64} {
  func.func @gather_kernel(%arg0: i32, %arg1: i32, %arg2: memref<819200xi32, #tpu.memory_space<hbm>>, %arg3: memref<1000000x64xf32, #tpu.memory_space<hbm>>, %arg4: memref<50x16384x64xf32, #tpu.memory_space<hbm>>, %arg5: memref<512xi32, #tpu.memory_space<vmem>>, %arg6: memref<512xi32, #tpu.memory_space<vmem>>, %arg7: memref<512x64xf32, #tpu.memory_space<vmem>>, %arg8: memref<512x64xf32, #tpu.memory_space<vmem>>, %arg9: memref<!tpu.dma_semaphore, #tpu.memory_space<semaphore_mem>>, %arg10: memref<!tpu.dma_semaphore, #tpu.memory_space<semaphore_mem>>) attributes {dimension_semantics = [#tpu.dimension_semantics<core_parallel>, #tpu.dimension_semantics<subcore_parallel>], iteration_bounds = array<i64: 2, 16>, scalar_prefetch = 0 : i64, scratch_operands = 6 : i64, tpu.core_type = #tpu.core_type<sc_vector_subcore>, window_params = [{transform_indices = #map}, {transform_indices = #map1}, {transform_indices = #map2}]} {
    %mul3A = arith.constant 2 : i32
    %mul3A_0 = arith.muli %arg1, %mul3A : i32
    %add3A = arith.addi %mul3A_0, %arg0 : i32
    %add3A_1 = arith.constant 0 : i32
    %add3A_2 = arith.addi %add3A, %add3A_1 : i32
    %mul3A_3 = arith.constant 512 : i32
    %mul3A_4 = arith.muli %add3A_2, %mul3A_3 : i32
    "tpu.region"() ({
      %run_scoped3A = tpu.sem_alloc : memref<!tpu.dma_semaphore, #tpu.memory_space<semaphore_mem>>
      %dma_start3A_48 = tpu.memref_slice %arg2[%mul3A_4] : memref<819200xi32, #tpu.memory_space<hbm>> -> memref<512xi32, #tpu.memory_space<hbm>>
      %dma_start3A_49 = tpu.memref_slice %arg2[%mul3A_4] : memref<819200xi32, #tpu.memory_space<hbm>> -> memref<512xi32, #tpu.memory_space<hbm>>
      tpu.enqueue_dma source(%dma_start3A_49 : memref<512xi32, #tpu.memory_space<hbm>>) target(%arg5 : memref<512xi32, #tpu.memory_space<vmem>>) target_semaphore(%run_scoped3A : memref<!tpu.dma_semaphore, #tpu.memory_space<semaphore_mem>>)
      %dma_wait3A_50 = tpu.memref_slice %arg2[%mul3A_4] : memref<819200xi32, #tpu.memory_space<hbm>> -> memref<512xi32, #tpu.memory_space<hbm>>
      %dma_wait3A_51 = tpu.memref_slice %arg2[%mul3A_4] : memref<819200xi32, #tpu.memory_space<hbm>> -> memref<512xi32, #tpu.memory_space<hbm>>
      tpu.wait_dma2 semaphore(%run_scoped3A : memref<!tpu.dma_semaphore, #tpu.memory_space<semaphore_mem>>) src(%dma_wait3A_51 : memref<512xi32, #tpu.memory_space<hbm>>) dst(%arg5 : memref<512xi32, #tpu.memory_space<vmem>>)
      tpu.yield
    }) : () -> ()
    %dma_start3A = arith.constant 0 : i32
    %dma_start3A_5 = arith.constant 0 : i32
    %dma_start3A_6 = tpu.memref_slice %arg3[%dma_start3A, %dma_start3A_5] : memref<1000000x64xf32, #tpu.memory_space<hbm>> -> memref<1000000x64xf32, #tpu.memory_space<hbm>>
    tpu.enqueue_indirect_dma source(%dma_start3A_6 : memref<1000000x64xf32, #tpu.memory_space<hbm>>) target(%arg7 : memref<512x64xf32, #tpu.memory_space<vmem>>) offsets(%arg5 : memref<512xi32, #tpu.memory_space<vmem>>) semaphore(%arg9 : memref<!tpu.dma_semaphore, #tpu.memory_space<semaphore_mem>>)
    %scan3A = arith.constant 0 : i32
    %scan3A_7 = arith.constant 1 : i32
    %scan3A_8 = arith.constant 49 : i32
    %scan3A_9 = arith.addi %scan3A_7, %scan3A_8 : i32
    %scan3A_10 = arith.constant 1 : i32
    scf.for %scan3A_48 = %scan3A_7 to %scan3A_9 step %scan3A_10  : i32 {
      %jit3A_49 = arith.constant 2 : i32
      %eq3A_50 = arith.constant 0 : i32
      %eq3A_51 = arith.cmpi eq, %jit3A_49, %eq3A_50 : i32
      %jit3A_52 = arith.constant 1 : i32
      %select_n3A_53 = arith.select %eq3A_51, %jit3A_52, %jit3A_49 : i32
      %rem3A_54 = arith.remsi %scan3A_48, %select_n3A_53 : i32
      %ne3A_55 = arith.constant 0 : i32
      %ne3A_56 = arith.cmpi ne, %rem3A_54, %ne3A_55 : i32
      %lt3A_57 = arith.constant 0 : i32
      %lt3A_58 = arith.cmpi slt, %rem3A_54, %lt3A_57 : i32
      %lt3A_59 = arith.constant 0 : i32
      %lt3A_60 = arith.cmpi slt, %select_n3A_53, %lt3A_59 : i32
      %ne3A_61 = arith.xori %lt3A_58, %lt3A_60 : i1
      %and3A_62 = arith.andi %ne3A_61, %ne3A_56 : i1
      %add3A_63 = arith.addi %rem3A_54, %select_n3A_53 : i32
      %select_n3A_64 = arith.select %and3A_62, %add3A_63, %rem3A_54 : i32
      %eq3A_65 = arith.constant 0 : i32
      %eq3A_66 = arith.cmpi eq, %select_n3A_64, %eq3A_65 : i32
      %convert_element_type3A = arith.extui %eq3A_66 : i1 to i32
      %cond3A = arith.constant 0 : i32
      %cond3A_67 = arith.cmpi ne, %convert_element_type3A, %cond3A : i32
      scf.if %cond3A_67 {
        %mul3A_135 = arith.constant 32 : i32
        %mul3A_136 = arith.muli %scan3A_48, %mul3A_135 : i32
        %add3A_137 = arith.addi %add3A, %mul3A_136 : i32
        %mul3A_138 = arith.constant 512 : i32
        %mul3A_139 = arith.muli %add3A_137, %mul3A_138 : i32
        "tpu.region"() ({
          %run_scoped3A = tpu.sem_alloc : memref<!tpu.dma_semaphore, #tpu.memory_space<semaphore_mem>>
          %dma_start3A_143 = tpu.memref_slice %arg2[%mul3A_139] : memref<819200xi32, #tpu.memory_space<hbm>> -> memref<512xi32, #tpu.memory_space<hbm>>
          %dma_start3A_144 = tpu.memref_slice %arg2[%mul3A_139] : memref<819200xi32, #tpu.memory_space<hbm>> -> memref<512xi32, #tpu.memory_space<hbm>>
          tpu.enqueue_dma source(%dma_start3A_144 : memref<512xi32, #tpu.memory_space<hbm>>) target(%arg5 : memref<512xi32, #tpu.memory_space<vmem>>) target_semaphore(%run_scoped3A : memref<!tpu.dma_semaphore, #tpu.memory_space<semaphore_mem>>)
          %dma_wait3A_145 = tpu.memref_slice %arg2[%mul3A_139] : memref<819200xi32, #tpu.memory_space<hbm>> -> memref<512xi32, #tpu.memory_space<hbm>>
          %dma_wait3A_146 = tpu.memref_slice %arg2[%mul3A_139] : memref<819200xi32, #tpu.memory_space<hbm>> -> memref<512xi32, #tpu.memory_space<hbm>>
          tpu.wait_dma2 semaphore(%run_scoped3A : memref<!tpu.dma_semaphore, #tpu.memory_space<semaphore_mem>>) src(%dma_wait3A_146 : memref<512xi32, #tpu.memory_space<hbm>>) dst(%arg5 : memref<512xi32, #tpu.memory_space<vmem>>)
          tpu.yield
        }) : () -> ()
        %dma_start3A_140 = arith.constant 0 : i32
        %dma_start3A_141 = arith.constant 0 : i32
        %dma_start3A_142 = tpu.memref_slice %arg3[%dma_start3A_140, %dma_start3A_141] : memref<1000000x64xf32, #tpu.memory_space<hbm>> -> memref<1000000x64xf32, #tpu.memory_space<hbm>>
        tpu.enqueue_indirect_dma source(%dma_start3A_142 : memref<1000000x64xf32, #tpu.memory_space<hbm>>) target(%arg7 : memref<512x64xf32, #tpu.memory_space<vmem>>) offsets(%arg5 : memref<512xi32, #tpu.memory_space<vmem>>) semaphore(%arg9 : memref<!tpu.dma_semaphore, #tpu.memory_space<semaphore_mem>>)
      } else {
      }
      %jit3A_68 = arith.constant 2 : i32
      %eq3A_69 = arith.constant 0 : i32
      %eq3A_70 = arith.cmpi eq, %jit3A_68, %eq3A_69 : i32
      %jit3A_71 = arith.constant 1 : i32
      %select_n3A_72 = arith.select %eq3A_70, %jit3A_71, %jit3A_68 : i32
      %rem3A_73 = arith.remsi %scan3A_48, %select_n3A_72 : i32
      %ne3A_74 = arith.constant 0 : i32
      %ne3A_75 = arith.cmpi ne, %rem3A_73, %ne3A_74 : i32
      %lt3A_76 = arith.constant 0 : i32
      %lt3A_77 = arith.cmpi slt, %rem3A_73, %lt3A_76 : i32
      %lt3A_78 = arith.constant 0 : i32
      %lt3A_79 = arith.cmpi slt, %select_n3A_72, %lt3A_78 : i32
      %ne3A_80 = arith.xori %lt3A_77, %lt3A_79 : i1
      %and3A_81 = arith.andi %ne3A_80, %ne3A_75 : i1
      %add3A_82 = arith.addi %rem3A_73, %select_n3A_72 : i32
      %select_n3A_83 = arith.select %and3A_81, %add3A_82, %rem3A_73 : i32
      %eq3A_84 = arith.constant 1 : i32
      %eq3A_85 = arith.cmpi eq, %select_n3A_83, %eq3A_84 : i32
      %convert_element_type3A_86 = arith.extui %eq3A_85 : i1 to i32
      %cond3A_87 = arith.constant 0 : i32
      %cond3A_88 = arith.cmpi ne, %convert_element_type3A_86, %cond3A_87 : i32
      scf.if %cond3A_88 {
        %mul3A_135 = arith.constant 32 : i32
        %mul3A_136 = arith.muli %scan3A_48, %mul3A_135 : i32
        %add3A_137 = arith.addi %add3A, %mul3A_136 : i32
        %mul3A_138 = arith.constant 512 : i32
        %mul3A_139 = arith.muli %add3A_137, %mul3A_138 : i32
        "tpu.region"() ({
          %run_scoped3A = tpu.sem_alloc : memref<!tpu.dma_semaphore, #tpu.memory_space<semaphore_mem>>
          %dma_start3A_143 = tpu.memref_slice %arg2[%mul3A_139] : memref<819200xi32, #tpu.memory_space<hbm>> -> memref<512xi32, #tpu.memory_space<hbm>>
          %dma_start3A_144 = tpu.memref_slice %arg2[%mul3A_139] : memref<819200xi32, #tpu.memory_space<hbm>> -> memref<512xi32, #tpu.memory_space<hbm>>
          tpu.enqueue_dma source(%dma_start3A_144 : memref<512xi32, #tpu.memory_space<hbm>>) target(%arg6 : memref<512xi32, #tpu.memory_space<vmem>>) target_semaphore(%run_scoped3A : memref<!tpu.dma_semaphore, #tpu.memory_space<semaphore_mem>>)
          %dma_wait3A_145 = tpu.memref_slice %arg2[%mul3A_139] : memref<819200xi32, #tpu.memory_space<hbm>> -> memref<512xi32, #tpu.memory_space<hbm>>
          %dma_wait3A_146 = tpu.memref_slice %arg2[%mul3A_139] : memref<819200xi32, #tpu.memory_space<hbm>> -> memref<512xi32, #tpu.memory_space<hbm>>
          tpu.wait_dma2 semaphore(%run_scoped3A : memref<!tpu.dma_semaphore, #tpu.memory_space<semaphore_mem>>) src(%dma_wait3A_146 : memref<512xi32, #tpu.memory_space<hbm>>) dst(%arg6 : memref<512xi32, #tpu.memory_space<vmem>>)
          tpu.yield
        }) : () -> ()
        %dma_start3A_140 = arith.constant 0 : i32
        %dma_start3A_141 = arith.constant 0 : i32
        %dma_start3A_142 = tpu.memref_slice %arg3[%dma_start3A_140, %dma_start3A_141] : memref<1000000x64xf32, #tpu.memory_space<hbm>> -> memref<1000000x64xf32, #tpu.memory_space<hbm>>
        tpu.enqueue_indirect_dma source(%dma_start3A_142 : memref<1000000x64xf32, #tpu.memory_space<hbm>>) target(%arg8 : memref<512x64xf32, #tpu.memory_space<vmem>>) offsets(%arg6 : memref<512xi32, #tpu.memory_space<vmem>>) semaphore(%arg10 : memref<!tpu.dma_semaphore, #tpu.memory_space<semaphore_mem>>)
      } else {
      }
      %sub3A_89 = arith.constant 1 : i32
      %sub3A_90 = arith.subi %scan3A_48, %sub3A_89 : i32
      %jit3A_91 = arith.constant 2 : i32
      %eq3A_92 = arith.constant 0 : i32
      %eq3A_93 = arith.cmpi eq, %jit3A_91, %eq3A_92 : i32
      %jit3A_94 = arith.constant 1 : i32
      %select_n3A_95 = arith.select %eq3A_93, %jit3A_94, %jit3A_91 : i32
      %rem3A_96 = arith.remsi %sub3A_90, %select_n3A_95 : i32
      %ne3A_97 = arith.constant 0 : i32
      %ne3A_98 = arith.cmpi ne, %rem3A_96, %ne3A_97 : i32
      %lt3A_99 = arith.constant 0 : i32
      %lt3A_100 = arith.cmpi slt, %rem3A_96, %lt3A_99 : i32
      %lt3A_101 = arith.constant 0 : i32
      %lt3A_102 = arith.cmpi slt, %select_n3A_95, %lt3A_101 : i32
      %ne3A_103 = arith.xori %lt3A_100, %lt3A_102 : i1
      %and3A_104 = arith.andi %ne3A_103, %ne3A_98 : i1
      %add3A_105 = arith.addi %rem3A_96, %select_n3A_95 : i32
      %select_n3A_106 = arith.select %and3A_104, %add3A_105, %rem3A_96 : i32
      %eq3A_107 = arith.constant 0 : i32
      %eq3A_108 = arith.cmpi eq, %select_n3A_106, %eq3A_107 : i32
      %convert_element_type3A_109 = arith.extui %eq3A_108 : i1 to i32
      %cond3A_110 = arith.constant 0 : i32
      %cond3A_111 = arith.cmpi ne, %convert_element_type3A_109, %cond3A_110 : i32
      scf.if %cond3A_111 {
        %sub3A_135 = arith.constant 1 : i32
        %sub3A_136 = arith.subi %scan3A_48, %sub3A_135 : i32
        %mul3A_137 = arith.constant 32 : i32
        %mul3A_138 = arith.muli %sub3A_136, %mul3A_137 : i32
        %add3A_139 = arith.addi %add3A, %mul3A_138 : i32
        %jit3A_140 = arith.constant 32 : i32
        %div3A_141 = arith.divsi %add3A_139, %jit3A_140 : i32
        %sign3A_142 = arith.constant 0 : i32
        %sign3A_143 = arith.cmpi sgt, %add3A_139, %sign3A_142 : i32
        %sign3A_144 = arith.extui %sign3A_143 : i1 to i32
        %sign3A_145 = arith.constant 0 : i32
        %sign3A_146 = arith.cmpi slt, %add3A_139, %sign3A_145 : i32
        %sign3A_147 = arith.extui %sign3A_146 : i1 to i32
        %sign3A_148 = arith.subi %sign3A_144, %sign3A_147 : i32
        %sign3A_149 = arith.constant 0 : i32
        %sign3A_150 = arith.cmpi sgt, %jit3A_140, %sign3A_149 : i32
        %sign3A_151 = arith.extui %sign3A_150 : i1 to i32
        %sign3A_152 = arith.constant 0 : i32
        %sign3A_153 = arith.cmpi slt, %jit3A_140, %sign3A_152 : i32
        %sign3A_154 = arith.extui %sign3A_153 : i1 to i32
        %sign3A_155 = arith.subi %sign3A_151, %sign3A_154 : i32
        %ne3A_156 = arith.cmpi ne, %sign3A_148, %sign3A_155 : i32
        %rem3A_157 = arith.remsi %add3A_139, %jit3A_140 : i32
        %ne3A_158 = arith.constant 0 : i32
        %ne3A_159 = arith.cmpi ne, %rem3A_157, %ne3A_158 : i32
        %and3A_160 = arith.andi %ne3A_156, %ne3A_159 : i1
        %sub3A_161 = arith.constant 1 : i32
        %sub3A_162 = arith.subi %div3A_141, %sub3A_161 : i32
        %select_n3A_163 = arith.select %and3A_160, %sub3A_162, %div3A_141 : i32
        %jit3A_164 = arith.constant 32 : i32
        %eq3A_165 = arith.constant 0 : i32
        %eq3A_166 = arith.cmpi eq, %jit3A_164, %eq3A_165 : i32
        %jit3A_167 = arith.constant 1 : i32
        %select_n3A_168 = arith.select %eq3A_166, %jit3A_167, %jit3A_164 : i32
        %rem3A_169 = arith.remsi %add3A_139, %select_n3A_168 : i32
        %ne3A_170 = arith.constant 0 : i32
        %ne3A_171 = arith.cmpi ne, %rem3A_169, %ne3A_170 : i32
        %lt3A_172 = arith.constant 0 : i32
        %lt3A_173 = arith.cmpi slt, %rem3A_169, %lt3A_172 : i32
        %lt3A_174 = arith.constant 0 : i32
        %lt3A_175 = arith.cmpi slt, %select_n3A_168, %lt3A_174 : i32
        %ne3A_176 = arith.xori %lt3A_173, %lt3A_175 : i1
        %and3A_177 = arith.andi %ne3A_176, %ne3A_171 : i1
        %add3A_178 = arith.addi %rem3A_169, %select_n3A_168 : i32
        %select_n3A_179 = arith.select %and3A_177, %add3A_178, %rem3A_169 : i32
        %mul3A_180 = arith.constant 512 : i32
        %mul3A_181 = arith.muli %select_n3A_179, %mul3A_180 : i32
        %dma_wait3A_182 = arith.constant 0 : i32
        %dma_wait3A_183 = arith.constant 0 : i32
        %dma_wait3A_184 = tpu.memref_slice %arg3[%dma_wait3A_182, %dma_wait3A_183] : memref<1000000x64xf32, #tpu.memory_space<hbm>> -> memref<1000000x64xf32, #tpu.memory_space<hbm>>
        tpu.wait_indirect_dma semaphore(%arg9 : memref<!tpu.dma_semaphore, #tpu.memory_space<semaphore_mem>>) src(%dma_wait3A_184 : memref<1000000x64xf32, #tpu.memory_space<hbm>>) dst(%arg7 : memref<512x64xf32, #tpu.memory_space<vmem>>)
        "tpu.region"() ({
          %run_scoped3A = tpu.sem_alloc : memref<!tpu.dma_semaphore, #tpu.memory_space<semaphore_mem>>
          %dma_start3A_185 = arith.constant 0 : i32
          %dma_start3A_186 = tpu.memref_slice %arg4[%select_n3A_163, %mul3A_181, %dma_start3A_185] : memref<50x16384x64xf32, #tpu.memory_space<hbm>> -> memref<1x512x64xf32, #tpu.memory_space<hbm>>
          %dma_start3A_187 = tpu.memref_squeeze %dma_start3A_186 : memref<1x512x64xf32, #tpu.memory_space<hbm>> -> memref<512x64xf32, #tpu.memory_space<hbm>>
          %dma_start3A_188 = arith.constant 0 : i32
          %dma_start3A_189 = tpu.memref_slice %arg4[%select_n3A_163, %mul3A_181, %dma_start3A_188] : memref<50x16384x64xf32, #tpu.memory_space<hbm>> -> memref<1x512x64xf32, #tpu.memory_space<hbm>>
          %dma_start3A_190 = tpu.memref_squeeze %dma_start3A_189 : memref<1x512x64xf32, #tpu.memory_space<hbm>> -> memref<512x64xf32, #tpu.memory_space<hbm>>
          tpu.enqueue_dma source(%arg7 : memref<512x64xf32, #tpu.memory_space<vmem>>) target(%dma_start3A_190 : memref<512x64xf32, #tpu.memory_space<hbm>>) target_semaphore(%run_scoped3A : memref<!tpu.dma_semaphore, #tpu.memory_space<semaphore_mem>>)
          %dma_wait3A_191 = arith.constant 0 : i32
          %dma_wait3A_192 = tpu.memref_slice %arg4[%select_n3A_163, %mul3A_181, %dma_wait3A_191] : memref<50x16384x64xf32, #tpu.memory_space<hbm>> -> memref<1x512x64xf32, #tpu.memory_space<hbm>>
          %dma_wait3A_193 = tpu.memref_squeeze %dma_wait3A_192 : memref<1x512x64xf32, #tpu.memory_space<hbm>> -> memref<512x64xf32, #tpu.memory_space<hbm>>
          %dma_wait3A_194 = arith.constant 0 : i32
          %dma_wait3A_195 = tpu.memref_slice %arg4[%select_n3A_163, %mul3A_181, %dma_wait3A_194] : memref<50x16384x64xf32, #tpu.memory_space<hbm>> -> memref<1x512x64xf32, #tpu.memory_space<hbm>>
          %dma_wait3A_196 = tpu.memref_squeeze %dma_wait3A_195 : memref<1x512x64xf32, #tpu.memory_space<hbm>> -> memref<512x64xf32, #tpu.memory_space<hbm>>
          tpu.wait_dma2 semaphore(%run_scoped3A : memref<!tpu.dma_semaphore, #tpu.memory_space<semaphore_mem>>) src(%arg7 : memref<512x64xf32, #tpu.memory_space<vmem>>) dst(%dma_wait3A_196 : memref<512x64xf32, #tpu.memory_space<hbm>>)
          tpu.yield
        }) : () -> ()
      } else {
      }
      %sub3A_112 = arith.constant 1 : i32
      %sub3A_113 = arith.subi %scan3A_48, %sub3A_112 : i32
      %jit3A_114 = arith.constant 2 : i32
      %eq3A_115 = arith.constant 0 : i32
      %eq3A_116 = arith.cmpi eq, %jit3A_114, %eq3A_115 : i32
      %jit3A_117 = arith.constant 1 : i32
      %select_n3A_118 = arith.select %eq3A_116, %jit3A_117, %jit3A_114 : i32
      %rem3A_119 = arith.remsi %sub3A_113, %select_n3A_118 : i32
      %ne3A_120 = arith.constant 0 : i32
      %ne3A_121 = arith.cmpi ne, %rem3A_119, %ne3A_120 : i32
      %lt3A_122 = arith.constant 0 : i32
      %lt3A_123 = arith.cmpi slt, %rem3A_119, %lt3A_122 : i32
      %lt3A_124 = arith.constant 0 : i32
      %lt3A_125 = arith.cmpi slt, %select_n3A_118, %lt3A_124 : i32
      %ne3A_126 = arith.xori %lt3A_123, %lt3A_125 : i1
      %and3A_127 = arith.andi %ne3A_126, %ne3A_121 : i1
      %add3A_128 = arith.addi %rem3A_119, %select_n3A_118 : i32
      %select_n3A_129 = arith.select %and3A_127, %add3A_128, %rem3A_119 : i32
      %eq3A_130 = arith.constant 1 : i32
      %eq3A_131 = arith.cmpi eq, %select_n3A_129, %eq3A_130 : i32
      %convert_element_type3A_132 = arith.extui %eq3A_131 : i1 to i32
      %cond3A_133 = arith.constant 0 : i32
      %cond3A_134 = arith.cmpi ne, %convert_element_type3A_132, %cond3A_133 : i32
      scf.if %cond3A_134 {
        %sub3A_135 = arith.constant 1 : i32
        %sub3A_136 = arith.subi %scan3A_48, %sub3A_135 : i32
        %mul3A_137 = arith.constant 32 : i32
        %mul3A_138 = arith.muli %sub3A_136, %mul3A_137 : i32
        %add3A_139 = arith.addi %add3A, %mul3A_138 : i32
        %jit3A_140 = arith.constant 32 : i32
        %div3A_141 = arith.divsi %add3A_139, %jit3A_140 : i32
        %sign3A_142 = arith.constant 0 : i32
        %sign3A_143 = arith.cmpi sgt, %add3A_139, %sign3A_142 : i32
        %sign3A_144 = arith.extui %sign3A_143 : i1 to i32
        %sign3A_145 = arith.constant 0 : i32
        %sign3A_146 = arith.cmpi slt, %add3A_139, %sign3A_145 : i32
        %sign3A_147 = arith.extui %sign3A_146 : i1 to i32
        %sign3A_148 = arith.subi %sign3A_144, %sign3A_147 : i32
        %sign3A_149 = arith.constant 0 : i32
        %sign3A_150 = arith.cmpi sgt, %jit3A_140, %sign3A_149 : i32
        %sign3A_151 = arith.extui %sign3A_150 : i1 to i32
        %sign3A_152 = arith.constant 0 : i32
        %sign3A_153 = arith.cmpi slt, %jit3A_140, %sign3A_152 : i32
        %sign3A_154 = arith.extui %sign3A_153 : i1 to i32
        %sign3A_155 = arith.subi %sign3A_151, %sign3A_154 : i32
        %ne3A_156 = arith.cmpi ne, %sign3A_148, %sign3A_155 : i32
        %rem3A_157 = arith.remsi %add3A_139, %jit3A_140 : i32
        %ne3A_158 = arith.constant 0 : i32
        %ne3A_159 = arith.cmpi ne, %rem3A_157, %ne3A_158 : i32
        %and3A_160 = arith.andi %ne3A_156, %ne3A_159 : i1
        %sub3A_161 = arith.constant 1 : i32
        %sub3A_162 = arith.subi %div3A_141, %sub3A_161 : i32
        %select_n3A_163 = arith.select %and3A_160, %sub3A_162, %div3A_141 : i32
        %jit3A_164 = arith.constant 32 : i32
        %eq3A_165 = arith.constant 0 : i32
        %eq3A_166 = arith.cmpi eq, %jit3A_164, %eq3A_165 : i32
        %jit3A_167 = arith.constant 1 : i32
        %select_n3A_168 = arith.select %eq3A_166, %jit3A_167, %jit3A_164 : i32
        %rem3A_169 = arith.remsi %add3A_139, %select_n3A_168 : i32
        %ne3A_170 = arith.constant 0 : i32
        %ne3A_171 = arith.cmpi ne, %rem3A_169, %ne3A_170 : i32
        %lt3A_172 = arith.constant 0 : i32
        %lt3A_173 = arith.cmpi slt, %rem3A_169, %lt3A_172 : i32
        %lt3A_174 = arith.constant 0 : i32
        %lt3A_175 = arith.cmpi slt, %select_n3A_168, %lt3A_174 : i32
        %ne3A_176 = arith.xori %lt3A_173, %lt3A_175 : i1
        %and3A_177 = arith.andi %ne3A_176, %ne3A_171 : i1
        %add3A_178 = arith.addi %rem3A_169, %select_n3A_168 : i32
        %select_n3A_179 = arith.select %and3A_177, %add3A_178, %rem3A_169 : i32
        %mul3A_180 = arith.constant 512 : i32
        %mul3A_181 = arith.muli %select_n3A_179, %mul3A_180 : i32
        %dma_wait3A_182 = arith.constant 0 : i32
        %dma_wait3A_183 = arith.constant 0 : i32
        %dma_wait3A_184 = tpu.memref_slice %arg3[%dma_wait3A_182, %dma_wait3A_183] : memref<1000000x64xf32, #tpu.memory_space<hbm>> -> memref<1000000x64xf32, #tpu.memory_space<hbm>>
        tpu.wait_indirect_dma semaphore(%arg10 : memref<!tpu.dma_semaphore, #tpu.memory_space<semaphore_mem>>) src(%dma_wait3A_184 : memref<1000000x64xf32, #tpu.memory_space<hbm>>) dst(%arg8 : memref<512x64xf32, #tpu.memory_space<vmem>>)
        "tpu.region"() ({
          %run_scoped3A = tpu.sem_alloc : memref<!tpu.dma_semaphore, #tpu.memory_space<semaphore_mem>>
          %dma_start3A_185 = arith.constant 0 : i32
          %dma_start3A_186 = tpu.memref_slice %arg4[%select_n3A_163, %mul3A_181, %dma_start3A_185] : memref<50x16384x64xf32, #tpu.memory_space<hbm>> -> memref<1x512x64xf32, #tpu.memory_space<hbm>>
          %dma_start3A_187 = tpu.memref_squeeze %dma_start3A_186 : memref<1x512x64xf32, #tpu.memory_space<hbm>> -> memref<512x64xf32, #tpu.memory_space<hbm>>
          %dma_start3A_188 = arith.constant 0 : i32
          %dma_start3A_189 = tpu.memref_slice %arg4[%select_n3A_163, %mul3A_181, %dma_start3A_188] : memref<50x16384x64xf32, #tpu.memory_space<hbm>> -> memref<1x512x64xf32, #tpu.memory_space<hbm>>
          %dma_start3A_190 = tpu.memref_squeeze %dma_start3A_189 : memref<1x512x64xf32, #tpu.memory_space<hbm>> -> memref<512x64xf32, #tpu.memory_space<hbm>>
          tpu.enqueue_dma source(%arg8 : memref<512x64xf32, #tpu.memory_space<vmem>>) target(%dma_start3A_190 : memref<512x64xf32, #tpu.memory_space<hbm>>) target_semaphore(%run_scoped3A : memref<!tpu.dma_semaphore, #tpu.memory_space<semaphore_mem>>)
          %dma_wait3A_191 = arith.constant 0 : i32
          %dma_wait3A_192 = tpu.memref_slice %arg4[%select_n3A_163, %mul3A_181, %dma_wait3A_191] : memref<50x16384x64xf32, #tpu.memory_space<hbm>> -> memref<1x512x64xf32, #tpu.memory_space<hbm>>
          %dma_wait3A_193 = tpu.memref_squeeze %dma_wait3A_192 : memref<1x512x64xf32, #tpu.memory_space<hbm>> -> memref<512x64xf32, #tpu.memory_space<hbm>>
          %dma_wait3A_194 = arith.constant 0 : i32
          %dma_wait3A_195 = tpu.memref_slice %arg4[%select_n3A_163, %mul3A_181, %dma_wait3A_194] : memref<50x16384x64xf32, #tpu.memory_space<hbm>> -> memref<1x512x64xf32, #tpu.memory_space<hbm>>
          %dma_wait3A_196 = tpu.memref_squeeze %dma_wait3A_195 : memref<1x512x64xf32, #tpu.memory_space<hbm>> -> memref<512x64xf32, #tpu.memory_space<hbm>>
          tpu.wait_dma2 semaphore(%run_scoped3A : memref<!tpu.dma_semaphore, #tpu.memory_space<semaphore_mem>>) src(%arg8 : memref<512x64xf32, #tpu.memory_space<vmem>>) dst(%dma_wait3A_196 : memref<512x64xf32, #tpu.memory_space<hbm>>)
          tpu.yield
        }) : () -> ()
      } else {
      }
    }
    %scan3A_11 = arith.constant 49 : i32
    %add3A_12 = arith.constant 1568 : i32
    %add3A_13 = arith.addi %add3A, %add3A_12 : i32
    %jit3A = arith.constant 32 : i32
    %div3A = arith.divsi %add3A_13, %jit3A : i32
    %sign3A = arith.constant 0 : i32
    %sign3A_14 = arith.cmpi sgt, %add3A_13, %sign3A : i32
    %sign3A_15 = arith.extui %sign3A_14 : i1 to i32
    %sign3A_16 = arith.constant 0 : i32
    %sign3A_17 = arith.cmpi slt, %add3A_13, %sign3A_16 : i32
    %sign3A_18 = arith.extui %sign3A_17 : i1 to i32
    %sign3A_19 = arith.subi %sign3A_15, %sign3A_18 : i32
    %sign3A_20 = arith.constant 0 : i32
    %sign3A_21 = arith.cmpi sgt, %jit3A, %sign3A_20 : i32
    %sign3A_22 = arith.extui %sign3A_21 : i1 to i32
    %sign3A_23 = arith.constant 0 : i32
    %sign3A_24 = arith.cmpi slt, %jit3A, %sign3A_23 : i32
    %sign3A_25 = arith.extui %sign3A_24 : i1 to i32
    %sign3A_26 = arith.subi %sign3A_22, %sign3A_25 : i32
    %ne3A = arith.cmpi ne, %sign3A_19, %sign3A_26 : i32
    %rem3A = arith.remsi %add3A_13, %jit3A : i32
    %ne3A_27 = arith.constant 0 : i32
    %ne3A_28 = arith.cmpi ne, %rem3A, %ne3A_27 : i32
    %and3A = arith.andi %ne3A, %ne3A_28 : i1
    %sub3A = arith.constant 1 : i32
    %sub3A_29 = arith.subi %div3A, %sub3A : i32
    %select_n3A = arith.select %and3A, %sub3A_29, %div3A : i32
    %jit3A_30 = arith.constant 32 : i32
    %eq3A = arith.constant 0 : i32
    %eq3A_31 = arith.cmpi eq, %jit3A_30, %eq3A : i32
    %jit3A_32 = arith.constant 1 : i32
    %select_n3A_33 = arith.select %eq3A_31, %jit3A_32, %jit3A_30 : i32
    %rem3A_34 = arith.remsi %add3A_13, %select_n3A_33 : i32
    %ne3A_35 = arith.constant 0 : i32
    %ne3A_36 = arith.cmpi ne, %rem3A_34, %ne3A_35 : i32
    %lt3A = arith.constant 0 : i32
    %lt3A_37 = arith.cmpi slt, %rem3A_34, %lt3A : i32
    %lt3A_38 = arith.constant 0 : i32
    %lt3A_39 = arith.cmpi slt, %select_n3A_33, %lt3A_38 : i32
    %ne3A_40 = arith.xori %lt3A_37, %lt3A_39 : i1
    %and3A_41 = arith.andi %ne3A_40, %ne3A_36 : i1
    %add3A_42 = arith.addi %rem3A_34, %select_n3A_33 : i32
    %select_n3A_43 = arith.select %and3A_41, %add3A_42, %rem3A_34 : i32
    %mul3A_44 = arith.constant 512 : i32
    %mul3A_45 = arith.muli %select_n3A_43, %mul3A_44 : i32
    %dma_wait3A = arith.constant 0 : i32
    %dma_wait3A_46 = arith.constant 0 : i32
    %dma_wait3A_47 = tpu.memref_slice %arg3[%dma_wait3A, %dma_wait3A_46] : memref<1000000x64xf32, #tpu.memory_space<hbm>> -> memref<1000000x64xf32, #tpu.memory_space<hbm>>
    tpu.wait_indirect_dma semaphore(%arg10 : memref<!tpu.dma_semaphore, #tpu.memory_space<semaphore_mem>>) src(%dma_wait3A_47 : memref<1000000x64xf32, #tpu.memory_space<hbm>>) dst(%arg8 : memref<512x64xf32, #tpu.memory_space<vmem>>)
    "tpu.region"() ({
      %run_scoped3A = tpu.sem_alloc : memref<!tpu.dma_semaphore, #tpu.memory_space<semaphore_mem>>
      %dma_start3A_48 = arith.constant 0 : i32
      %dma_start3A_49 = tpu.memref_slice %arg4[%select_n3A, %mul3A_45, %dma_start3A_48] : memref<50x16384x64xf32, #tpu.memory_space<hbm>> -> memref<1x512x64xf32, #tpu.memory_space<hbm>>
      %dma_start3A_50 = tpu.memref_squeeze %dma_start3A_49 : memref<1x512x64xf32, #tpu.memory_space<hbm>> -> memref<512x64xf32, #tpu.memory_space<hbm>>
      %dma_start3A_51 = arith.constant 0 : i32
      %dma_start3A_52 = tpu.memref_slice %arg4[%select_n3A, %mul3A_45, %dma_start3A_51] : memref<50x16384x64xf32, #tpu.memory_space<hbm>> -> memref<1x512x64xf32, #tpu.memory_space<hbm>>
      %dma_start3A_53 = tpu.memref_squeeze %dma_start3A_52 : memref<1x512x64xf32, #tpu.memory_space<hbm>> -> memref<512x64xf32, #tpu.memory_space<hbm>>
      tpu.enqueue_dma source(%arg8 : memref<512x64xf32, #tpu.memory_space<vmem>>) target(%dma_start3A_53 : memref<512x64xf32, #tpu.memory_space<hbm>>) target_semaphore(%run_scoped3A : memref<!tpu.dma_semaphore, #tpu.memory_space<semaphore_mem>>)
      %dma_wait3A_54 = arith.constant 0 : i32
      %dma_wait3A_55 = tpu.memref_slice %arg4[%select_n3A, %mul3A_45, %dma_wait3A_54] : memref<50x16384x64xf32, #tpu.memory_space<hbm>> -> memref<1x512x64xf32, #tpu.memory_space<hbm>>
      %dma_wait3A_56 = tpu.memref_squeeze %dma_wait3A_55 : memref<1x512x64xf32, #tpu.memory_space<hbm>> -> memref<512x64xf32, #tpu.memory_space<hbm>>
      %dma_wait3A_57 = arith.constant 0 : i32
      %dma_wait3A_58 = tpu.memref_slice %arg4[%select_n3A, %mul3A_45, %dma_wait3A_57] : memref<50x16384x64xf32, #tpu.memory_space<hbm>> -> memref<1x512x64xf32, #tpu.memory_space<hbm>>
      %dma_wait3A_59 = tpu.memref_squeeze %dma_wait3A_58 : memref<1x512x64xf32, #tpu.memory_space<hbm>> -> memref<512x64xf32, #tpu.memory_space<hbm>>
      tpu.wait_dma2 semaphore(%run_scoped3A : memref<!tpu.dma_semaphore, #tpu.memory_space<semaphore_mem>>) src(%arg8 : memref<512x64xf32, #tpu.memory_space<vmem>>) dst(%dma_wait3A_59 : memref<512x64xf32, #tpu.memory_space<hbm>>)
      tpu.yield
    }) : () -> ()
    return
  }
}

</mosaic_0001>

<sc_bundles>
// kernel: kernel.3.cloned.1.call-start
scs
__scs_entry_jumppad:
0x0: {  	(pc) =	sbr.rel $0x88, $3  }
0x1: {  	(tag) =	ssettag $0x0;
	lr =	simm.s32 $0x1  }
0x2: {  	[smem:$0x3F9F] =	sst lr;
	_ =	strace $0xD0000000  }
0x3: {  	_ = 	snop  }
0x4: {  	_ = 	snop  }
0x5: {  	_ = 	snop  }
0x6: {  	_ = 	snop  }
0x7: {  	_ = 	snop  }
__scs_overlays_trampoline_lowered:
0x8: {  	[smem:$0x3FAE] =	sst s0  }
0x9: {  	[smem:$0x3FAF] =	sst s1  }
0xa: {  	[smem:$0x3FB0] =	sst s2  }
0xb: {  	[smem:$0x3FB1] =	sst s3  }
0xc: {  	[smem:$0x3FB2] =	sst s4  }
0xd: {  	[smem:$0x3FB3] =	sst s5  }
0xe: {  	[smem:$0x3FB4] =	sst s6  }
0xf: {  	[smem:$0x3FB5] =	sst s7  }
0x10: {  	[smem:$0x3FB6] =	sst s8  }
0x11: {  	[smem:$0x3FB7] =	sst s9;
	s0 =	simm.s32 @!p0 $0x0  }
0x12: {  	s1 =	sld [smem:$0x3F9D];
	s0 =	simm.s32 @p0 $0x1  }
0x13: {  	[smem:$0x3FB8] =	sst s0;
	s0 =	simm.s32 @!p1 $0x0  }
0x14: {  	s2 =	sld [smem:$0x3F9C];
	s0 =	simm.s32 @p1 $0x1  }
0x15: {  	[smem:$0x3FB9] =	sst s0;
	s0 =	simm.s32 @!p2 $0x0  }
0x16: {  	s3 =	sld [smem:$0x3FDB];
	s0 =	simm.s32 @p2 $0x1  }
0x17: {  	s4 =	simm.s32 $0x1BF5;
	[smem:$0x3FBB] =	sst s0  }
0x18: {  	s0 =	sld [smem:$0x3F9E];
	_ =	swait.ge [sflag:s4], $0x0  }
0x19: {  	s7 =	sld [smem:$0x3F9F]  }
0x1a: {  	s8 =	sadd.s32 $0xFFFFE003, lr  }
0x1b: {  	s9 =	sadd.s32 $0xFFFFFEF7, lr;
	s5 =	simm.s32 $0xFFFFFFFF;
	p2 =	slt.u32 s8, $0xFFFFF086  }
0x1c: {  	p1 =	slt.u32 s9, $0xF7A;
	s5 =	simm.s32 @!p2 $0x0  }
0x1d: {  	s5 =	simm.s32 @p1 $0x1;
	p0 =	seq.s32 s7, s2  }
0x1e: {  	s7 =	smul.u32 @!p0 $0xF7A, s2;
	p2 =	seq.s32 @!p0 s5, $0x0  }
0x1f: {  	s9 =	smul.u32 $0xF7A, s1;
	s8 =	simm.s32 @!p0 $0x1BF5;
	p2 =	por !p2, p0  }
0x20: {  	[sflag:s8] =	ssyncset.s32 @!p0 $0xFFFFF086;
	s6 =	sadd.s32 @!p0 s3, s7;
	s7 =	simm.s32 @!p0 $0x108  }
0x21: {  	s3 =	sadd.s32 s3, s9;
	s6 =	sadd.s32 @!p0 $0x88, s6;
	s7 =	simm.s32 @p2 $0x1082  }
0x22: {  	[simem:s7], [sflag:s8] =	dma.local @!p0 [hbm:s6], $0xF7A  }
0x23: {  	s9 =	sor.u32 $0xD0000000, s2;
	s6 =	simm.s32 $0x108;
	_ =	swait.ge @!p0 [sflag:s8], $0x0  }
0x24: {  	s3 =	sadd.s32 $0x88, s3;
	s6 =	simm.s32 @!p1 $0x1082;
	[sflag:s4] =	ssyncset.s32 $0xFFFFF086  }
0x25: {  	[simem:s6], [sflag:s4] =	dma.local [hbm:s3], $0xF7A  }
0x26: {  	[smem:$0x3F9F] =	sst s1;
	(tag) =	ssettag s2;
	_ =	strace s9  }
0x27: {  	s1 =	sld [smem:$0x3FAF]  }
0x28: {  	s2 =	sld [smem:$0x3FB0]  }
0x29: {  	s4 =	sld [smem:$0x3FB2]  }
0x2a: {  	p0 =	seq.s32 s5, $0x0;
	s5 =	sld [smem:$0x3FB3]  }
0x2b: {  	s6 =	sld [smem:$0x3FB4]  }
0x2c: {  	s7 =	sld [smem:$0x3FB5]  }
0x2d: {  	s3 =	simm.s32 $0x108;
	s8 =	sld [smem:$0x3FB6]  }
0x2e: {  	s3 =	simm.s32 @!p0 $0x1082;
	s9 =	sld [smem:$0x3FB7]  }
0x2f: {  	lr =	sadd.s32 s0, s3;
	s0 =	sld [smem:$0x3FAE]  }
0x30: {  	s3 =	sld [smem:$0x3FB1]  }
0x31: {  	[smem:$0x3FBA] =	sst s10  }
0x32: {  	s10 =	sld [smem:$0x3FB8];
	_ =	sdelay $0x3  }
0x33: {  	p0 =	seq.s32 s10, $0x1;
	s10 =	sld [smem:$0x3FBA];
	_ =	sdelay $0x3  }
0x34: {  	[smem:$0x3FBA] =	sst s10  }
0x35: {  	s10 =	sld [smem:$0x3FB9];
	_ =	sdelay $0x3  }
0x36: {  	p1 =	seq.s32 s10, $0x1;
	s10 =	sld [smem:$0x3FBA];
	_ =	sdelay $0x3  }
0x37: {  	[smem:$0x3FBA] =	sst s10  }
0x38: {  	s10 =	sld [smem:$0x3FBB]  }
0x39: {  	_ = 	snop;
	(pc) =	sbr.ind lr, $3  }
0x3a: {  	_ = 	snop  }
0x3b: {  	_ = 	snop  }
0x3c: {  	p2 =	seq.s32 s10, $0x1;
	s10 =	sld [smem:$0x3FBA]  }
0x3d: {  	_ =	shalt  }
0x3e: {  	_ =	shalt  }
0x3f: {  	_ =	shalt  }
0x40: {  	_ =	shalt  }
0x41: {  	_ =	shalt  }
0x42: {  	_ =	shalt  }
0x43: {  	_ =	shalt  }
0x44: {  	_ =	shalt  }
0x45: {  	_ =	shalt  }
0x46: {  	_ =	shalt  }
0x47: {  	_ =	shalt  }
0x48: {  	_ =	shalt  }
0x49: {  	_ =	shalt  }
0x4a: {  	_ =	shalt  }
0x4b: {  	_ =	shalt  }
0x4c: {  	_ =	shalt  }
0x4d: {  	_ =	shalt  }
0x4e: {  	_ =	shalt  }
0x4f: {  	_ =	shalt  }
0x50: {  	_ =	shalt  }
0x51: {  	_ =	shalt  }
0x52: {  	_ =	shalt  }
0x53: {  	_ =	shalt  }
0x54: {  	_ =	shalt  }
0x55: {  	_ =	shalt  }
0x56: {  	_ =	shalt  }
0x57: {  	_ =	shalt  }
0x58: {  	_ =	shalt  }
0x59: {  	_ =	shalt  }
0x5a: {  	_ =	shalt  }
0x5b: {  	_ =	shalt  }
0x5c: {  	_ =	shalt  }
0x5d: {  	_ =	shalt  }
0x5e: {  	_ =	shalt  }
0x5f: {  	_ =	shalt  }
0x60: {  	_ =	shalt  }
0x61: {  	_ =	shalt  }
0x62: {  	_ =	shalt  }
0x63: {  	_ =	shalt  }
0x64: {  	_ =	shalt  }
0x65: {  	_ =	shalt  }
0x66: {  	_ =	shalt  }
0x67: {  	_ =	shalt  }
0x68: {  	_ =	shalt  }
0x69: {  	_ =	shalt  }
0x6a: {  	_ =	shalt  }
0x6b: {  	_ =	shalt  }
0x6c: {  	_ =	shalt  }
0x6d: {  	_ =	shalt  }
0x6e: {  	_ =	shalt  }
0x6f: {  	_ =	shalt  }
0x70: {  	_ =	shalt  }
0x71: {  	_ =	shalt  }
0x72: {  	_ =	shalt  }
0x73: {  	_ =	shalt  }
0x74: {  	_ =	shalt  }
0x75: {  	_ =	shalt  }
0x76: {  	_ =	shalt  }
0x77: {  	_ =	shalt  }
0x78: {  	_ =	shalt  }
0x79: {  	_ =	shalt  }
0x7a: {  	_ =	shalt  }
0x7b: {  	_ =	shalt  }
0x7c: {  	_ =	shalt  }
0x7d: {  	_ =	shalt  }
0x7e: {  	_ =	shalt  }
0x7f: {  	_ =	shalt  }
0x80: {  	_ =	shalt  }
0x81: {  	_ =	shalt  }
0x82: {  	_ =	shalt  }
0x83: {  	_ =	shalt  }
0x84: {  	_ =	shalt  }
0x85: {  	_ =	shalt  }
0x86: {  	_ =	shalt  }
0x87: {  	_ =	shalt  }
.Lfunc_end0:
.L_simem_size_0:
called_computation.1_lowered:
.L_overlay_start_0:
0x88: {  	s2 =	sld [smem:$0x3FD9]  }
0x89: {  	s3 =	sld [smem:$0x3FFE];
	_ =	sdelay $0x1  }
0x8a: {  	s1 =	srdreg.scid  }
0x8b: {  	s0 =	sand.u32 $0x1, s1  }
0x8c: {  	s17 =	sshll.u32 s0, $0xA;
	s2 =	sadd.s32 s3, s2  }
0x8d: {  	s2 =	sadd.s32 s2, s17  }
0x8e: {  	[smem:$0x3FC6] =	sst s2  }
0x8f: {  	_ = 	snop  }
0x90: {  	s2 =	sld [smem:$0x3FD0];
	(tm) =	ssettm $0x1  }
0x91: {  	s18 =	sld [smem:$0x3FFB];
	_ =	sdelay $0x3  }
0x92: {  	_ =	strace s18  }
0x93: {  	s3 =	sld [smem:$0x3FFC];
	_ =	sdelay $0x3  }
0x94: {  	_ =	strace s3  }
0x95: {  	s3 =	sld [smem:$0x3FFD];
	_ =	sdelay $0x3  }
0x96: {  	_ =	strace s3  }
0x97: {  	_ =	strace $0x8FFFFFFF  }
0x98: {  	s19 =	sld [smem:$0x3FDB];
	_ =	sdelay $0x1  }
0x99: {  	s4 =	simm.s32 $_scs_section_size  }
0x9a: {  	s5 =	simm.s32 $_size__tile_overlayer_lowered;
	s6 =	simm.s32 $_tile_overlayer_lowered  }
0x9b: {  	s22 =	simm.s32 $0x1BFF;
	s21 =	sshll.u32 s6, $0x1;
	s3 =	sadd.s32 s4, s19  }
0x9c: {  	s7 =	simm.s32 $0x0;
	s20 =	sshll.u32 s5, $0x1;
	s5 =	sadd.s32 s21, s3  }
0x9d: {  	[timem:s7], [sflag:s22] =	dma.local [hbm:s5], s20  }
0x9e: {  	_ =	swait.ge [sflag:s22], s20  }
0x9f: {  	s4 =	ssub.s32 $0x0, s20;
	[sflag:s22] =	ssyncset.done $0x0  }
0xa0: {  	[sflag:s22] =	ssyncadd.s32 s4;
	_ =	sdelay $0x1  }
0xa1: {  	s23 =	simm.s32 $0x1B8B  }
0xa2: {  	_ =	swait.ge [sflag:s23], $0x1  }
0xa3: {  	[sflag:s23] =	ssyncset.done $0x0  }
0xa4: {  	s25 =	simm.s32 $0x1B8E;
	s24 =	sld [smem:$0x3FFE];
	[sflag:s23] =	ssyncadd.s32 $0xFFFFFFFF  }
0xa5: {  	s26 =	simm.s32 $execute0_lowered;
	[smem:$0x3FD2] =	sst s25  }
0xa6: {  	s5 =	sshll.u32 s26, $0x1;
	_ =	strace $0x80000046;
	[dreg:$0x1] =	wrdreg $0xFFFFFFFF  }
0xa7: {  	s28 =	simm.s32 $_size_execute0_lowered;
	s3 =	sadd.s32 s3, s5;
	[dreg:$0x0] =	wrdreg $0x0  }
0xa8: {  	s5 =	sshll.u32 s28, $0x1;
	[dreg:$0x2] =	wrdreg s3  }
0xa9: {  	[dreg:$0x3] =	wrdreg s5  }
0xaa: {  	[dreg:$0x4] =	wrdreg $0xC0  }
0xab: {  	_ =	task [dreg:s7], $0x5FFFF  }
0xac: {  	[dreg:$0x1] =	wrdreg $0xFFFFFFFF  }
0xad: {  	[dreg:$0x0] =	wrdreg $0x60  }
0xae: {  	[dreg:$0x2] =	wrdreg s24  }
0xaf: {  	[dreg:$0x3] =	wrdreg s2  }
0xb0: {  	[dreg:$0x4] =	wrdreg $0x9  }
0xb1: {  	_ =	task.clear_ibuf [dreg:s7], $0x5FFFF;
	_ =	strace $0x90000046  }
0xb2: {  	s29 =	simm.s32 $0x9;
	_ =	strace $0x80000048  }
0xb3: {  	_ =	swait.ge [sflag:s29], $0x1  }
0xb4: {  	[sflag:s29] =	ssyncadd.s32 $0xFFFFFFFF  }
0xb5: {  	_ =	strace $0x90000048  }
0xb6: {  	_ =	sfence  }
0xb7: {  	s30 =	sld [smem:$0x0];
	_ =	sdelay $0x2  }
0xb8: {  	s31 =	sshll.u32 s1, $0xD;
	s1 =	sshrl.u32 s1, $0x2  }
0xb9: {  	s3 =	sand.u32 $0x4000, s31;
	s1 =	sadd.s32 s1, s30  }
0xba: {  	s0 =	sor.u32 s3, s0;
	s1 =	sshll.u32 s1, $0x11  }
0xbb: {  	s0 =	sor.u32 s1, s0  }
0xbc: {  	s0 =	sadd.s32 $0x8F2B, s0  }
0xbd: {  	[sflag:s0] =	ssyncadd.remote.s32 $0x1  }
0xbe: {  	_ =	sfence.sel $0xFFFF  }
0xbf: {  	[dreg:$0x0] =	wrdreg $0xFFFFFFFF;
	(pc) =	sbr.abs _section_cstart, $3  }
0xc0: {  	[dreg:$0x1] =	wrdreg $0xFFFFFFFF  }
0xc1: {  	_ =	task.clear_ibuf [dreg:s7], $0x2FFFF;
	_ =	strace $0x9FFFFFFF  }
0xc2: {  	(tm) =	ssettm $0x7FFFFFFF  }
0xc3: {  	_ =	shalt  }
tec
execute0_lowered:
.L_overlay_start_1:
0x0: {  	(tag) =	ssettag $0x1  }
0x1: {  	s4 =	rddreg [dreg:$0x0]  }
0x2: {  	s1 =	rddreg [dreg:$0x1]  }
0x3: {  	s0 =	rddreg [dreg:$0x2]  }
0x4: {  	s3 =	simm.s32 $0x0;
	s5 =	srdreg.scid;
	s2 =	stileid.u32  }
0x5: {  	s15 =	simm.s32 $0x2;
	s16 =	simm.s32 $0x8400;
	s17 =	simm.s32 $0x0  }
0x6: {  	[smem:$0x7FF] =	sst s3;
	s8 =	sand.u32 $0x1, s5;
	s9 =	sadd.s32 $0xA00, s4  }
0x7: {  	s26 =	sshll.u32 s2, $0x1;
	s4 =	sadd.s32 $0xF42E00, s4;
	s12 =	sshll.u32 s2, $0x7  }
0x8: {  	s13 =	sshll.u32 s2, $0x10;
	_ =	strace $0x80000047;
	s6 =	ssub.s32 $0x2, s8  }
0x9: {  	s5 =	sor.u32 s8, s26;
	s14 =	sshll.u32 s8, $0xF;
	s29 =	sshll.u32 s8, $0x6  }
0xa: {  	s7 =	sshrl.u32 s6, $0x1;
	s28 =	sshll.u32 s5, $0x6;
	s11 =	sshll.u32 s5, $0xC  }
0xb: {  	s13 =	sor.u32 s14, s13;
	s14 =	simm.s32 $0x400;
	s10 =	ssub.s32 s6, s7  }
0xc: {  	s6 =	sadd.s32 s9, s28;
	s7 =	sshll.u32 s5, $0xF;
	s11 =	sadd.s32 s11, s1  }
0xd: {  	s9 =	sadd.s32 s12, s9;
	s31 =	sshrl.u32 s13, $0x3;
	s12 =	simm.s32 $0x3  }
0xe: {  	s13 =	simm.s32 $0x200;
	s8 =	sadd.s32 $0x620000, s11;
	s30 =	sadd.s32 s29, s9  }
0xf: {  	s9 =	smax.u32 s10, $0x1;
	s11 =	sadd.s32 s31, s1;
	s10 =	sadd.s32 $0x800, s30  }
.LBB2_1:
0x10: {  	[tilespmem:s3], [sflag:$0x3] =	stream.linear.gather [hbm4b:s6+s3], $0x200, $0x38;
	[tilespmem:$0x10400] =	vst v63  }
0x11: {  	s19 =	sand.u32 $0x1, s3;
	_ =	swait.ge [sflag:s12], $0x200  }
0x12: {  	s21 =	simm.s32 $0x2;
	p1 =	seq.s32 s19, $0x0;
	[sflag:s12] =	ssyncset.done $0x0  }
0x13: {  	p0 =	seq.s32 s19, $0x1;
	s20 =	simm.s32 @p1 $0x4;
	[sflag:s12] =	ssyncadd.s32 $0xFFFFFE00  }
0x14: {  	[tilespmem:s14], [sflag:$0x1] =	stream.indirect.gather [hbm4b:s4+s13], $0x40, s3, s13, $0xb8;
	[tilespmem:$0x10400] =	vst v63  }
0x15: {  	s18 =	simm.s32 @p1 $0x0;
	s22 =	simm.s32 @p1 $0x200;
	s23 =	simm.s32 @!p1 $0x0  }
0x16: {  	[tilespmem:s22], [sflag:$0x4] =	stream.linear.gather @p1 [hbm4b:s10+s18], $0x200, $0x38;
	[tilespmem:$0x10400] =	vst v63  }
0x17: {  	s19 =	simm.s32 @p1 $0x8400;
	s24 =	simm.s32 @!p1 $0x4;
	_ =	swait.ge @p1 [sflag:s20], $0x200  }
0x18: {  	p2 =	sne.s32 @!p0 s5, $0x0;
	s25 =	simm.s32 @!p1 $0x200;
	[sflag:s20] =	ssyncset.done @p1 $0x0  }
0x19: {  	s26 =	simm.s32 @!p0 $0x1;
	[sflag:s20] =	ssyncadd.s32 @p1 $0xFFFFFE00;
	s20 =	sor.u32 @!p0 s5, s3  }
0x1a: {  	[tilespmem:s19], [sflag:$0x2] =	stream.indirect.gather @p1 [hbm4b:s4+s22], $0x40, s22, s22, $0xb8;
	[tilespmem:$0x10400] =	vst v63  }
0x1b: {  	s18 =	simm.s32 $0x1;
	p3 =	seq.s32 @!p0 s20, $0x0;
	s22 =	simm.s32 @!p0 $0x4  }
0x1c: {  	[tilespmem:s23], [sflag:$0x4] =	stream.linear.gather @!p1 [hbm4b:s10+s23], $0x200, $0x38;
	[tilespmem:$0x10400] =	vst v63  }
0x1d: {  	s19 =	sadd.s32 $0x20000, s11;
	p2 =	por @!p0 !p2, !p3;
	_ =	swait.ge @!p1 [sflag:s24], $0x200  }
0x1e: {  	s20 =	simm.s32 @!p1 $0x400;
	p2 =	por @!p0 !p2, !p2;
	[sflag:s24] =	ssyncset.done @!p1 $0x0  }
0x1f: {  	p2 =	por !p2, p0;
	[sflag:s24] =	ssyncadd.s32 @!p1 $0xFFFFFE00;
	s24 =	simm.s32 @p0 $0x2  }
0x20: {  	[tilespmem:s20], [sflag:$0x1] =	stream.indirect.gather @!p1 [hbm4b:s4+s25], $0x40, s23, s25, $0xb8;
	[tilespmem:$0x10400] =	vst v63  }
0x21: {  	s22 =	simm.s32 @p0 $0x3;
	s26 =	simm.s32 @p2 $0x0;
	_ =	swait.ge @p0 [sflag:s24], $0x8000  }
0x22: {  	s23 =	ssub.s32 @!p0 $0x0, s26;
	s25 =	simm.s32 @p0 $0x8400;
	[sflag:s24] =	ssyncset.done @p0 $0x0  }
0x23: {  	s23 =	sshll.u32 @!p0 s23, $0x14;
	[sflag:s24] =	ssyncadd.s32 @p0 $0xFFFF8000;
	s24 =	simm.s32 @p0 $0x0  }
0x24: {  	[hbm4b:s11+s24] =	stream.linear.scatter @p0 [tilespmem:s25], [sflag:$0x3], $0x8000, $0x38;
	[tilespmem:$0x10400] =	vst v63  }
0x25: {  	s20 =	sadd.s32 $0x800, s10;
	s23 =	sor.u32 @!p0 s7, s23;
	s25 =	simm.s32 @!p0 $0x1  }
0x26: {  	s26 =	simm.s32 @!p0 $0x400;
	s28 =	sshrl.u32 @!p0 s23, $0x3;
	_ =	swait.ge @!p0 [sflag:s25], $0x8000  }
.LBB2_2:
0x27: {  	s29 =	sand.u32 $0x1, s18;
	[sflag:s25] =	ssyncset.done @!p0 $0x0;
	s30 =	simm.s32 @!p0 $0x0  }
0x28: {  	s24 =	smov.u32 s18;
	s18 =	smov.u32 s21;
	s23 =	smov.u32 s19  }
0x29: {  	p2 =	seq.s32 s29, $0x0;
	[sflag:s25] =	ssyncadd.s32 @!p0 $0xFFFF8000;
	s25 =	sadd.s32 @!p0 s1, s28  }
0x2a: {  	[hbm4b:s25+s30] =	stream.linear.scatter @!p0 [tilespmem:s26], [sflag:$0x4], $0x8000, $0x38;
	[tilespmem:$0x10400] =	vst v63  }
0x2b: {  	s21 =	sadd.s32 $0x1, s21;
	s25 =	smov.u32 s20;
	_ =	swait.ge [sflag:s22], $0x8000  }
0x2c: {  	p1 =	sne.s32 s21, $0x31;
	s26 =	simm.s32 @p2 $0x4;
	[sflag:s22] =	ssyncset.done $0x0  }
0x2d: {  	s28 =	simm.s32 @p2 $0x0;
	s30 =	simm.s32 @p2 $0x200;
	[sflag:s22] =	ssyncadd.s32 $0xFFFF8000  }
0x2e: {  	[tilespmem:s30], [sflag:$0x4] =	stream.linear.gather @p2 [hbm4b:s20+s28], $0x200, $0x38;
	[tilespmem:$0x10400] =	vst v63  }
0x2f: {  	_ =	swait.ge @p2 [sflag:s26], $0x200  }
0x30: {  	s31 =	simm.s32 @!p2 $0x4;
	s28 =	simm.s32 @!p2 $0x0;
	[sflag:s26] =	ssyncset.done @p2 $0x0  }
0x31: {  	p0 =	seq.s32 s29, $0x1;
	[sflag:s26] =	ssyncadd.s32 @p2 $0xFFFFFE00;
	s26 =	simm.s32 @p2 $0x8400  }
0x32: {  	s19 =	sadd.s32 $0x20000, s19;
	s29 =	sor.u32 @!p0 s5, s24;
	s22 =	simm.s32 @!p0 $0x4  }
0x33: {  	[tilespmem:s26], [sflag:$0x2] =	stream.indirect.gather @p2 [hbm4b:s4+s30], $0x40, s30, s30, $0xb8;
	[tilespmem:$0x10400] =	vst v63  }
0x34: {  	p3 =	sne.s32 @!p0 s5, $0x0;
	p4 =	seq.s32 @!p0 s29, $0x0;
	s20 =	sadd.s32 $0x800, s20  }
0x35: {  	p3 =	por @!p0 !p3, !p4;
	s22 =	simm.s32 @p0 $0x3;
	s26 =	simm.s32 @!p2 $0x400  }
0x36: {  	[tilespmem:s28], [sflag:$0x4] =	stream.linear.gather @!p2 [hbm4b:s25+s28], $0x200, $0x38;
	[tilespmem:$0x10400] =	vst v63  }
0x37: {  	s29 =	simm.s32 @!p2 $0x200;
	p3 =	por @!p0 !p3, !p3;
	_ =	swait.ge @!p2 [sflag:s31], $0x200  }
0x38: {  	p3 =	por !p3, p0;
	s25 =	simm.s32 @!p0 $0x1;
	[sflag:s31] =	ssyncset.done @!p2 $0x0  }
0x39: {  	[sflag:s31] =	ssyncadd.s32 @!p2 $0xFFFFFE00;
	s31 =	simm.s32 @!p0 $0x1  }
0x3a: {  	s30 =	simm.s32 @p0 $0x2;
	s31 =	simm.s32 @p3 $0x0  }
0x3b: {  	[tilespmem:s26], [sflag:$0x1] =	stream.indirect.gather @!p2 [hbm4b:s4+s29], $0x40, s28, s29, $0xb8;
	[tilespmem:$0x10400] =	vst v63  }
.Ltmp0:
0x3c: {  	s24 =	ssub.s32 @!p0 s24, s31;
	_ =	swait.ge @p0 [sflag:s30], $0x8000;
	(pc) =	sbr.rel @p1 .LBB2_2-.Ltmp0, $4  }
0x3d: {  	s26 =	simm.s32 @p0 $0x8400;
	s24 =	sshll.u32 @!p0 s24, $0x14;
	[sflag:s30] =	ssyncset.done @p0 $0x0  }
0x3e: {  	s28 =	simm.s32 @p0 $0x0;
	s24 =	sor.u32 @!p0 s7, s24;
	[sflag:s30] =	ssyncadd.s32 @p0 $0xFFFF8000  }
0x3f: {  	[hbm4b:s23+s28] =	stream.linear.scatter @p0 [tilespmem:s26], [sflag:$0x3], $0x8000, $0x38;
	[tilespmem:$0x10400] =	vst v63  }
0x40: {  	s28 =	sshrl.u32 @!p0 s24, $0x3;
	s26 =	simm.s32 @!p0 $0x400;
	_ =	swait.ge @!p0 [sflag:s25], $0x8000  }
0x41: {  	s21 =	sand.u32 $0x1, s18;
	[sflag:s25] =	ssyncset.done @!p0 $0x0  }
0x42: {  	s23 =	simm.s32 @!p0 $0x0;
	s24 =	sadd.s32 @!p0 s1, s28;
	[sflag:s25] =	ssyncadd.s32 @!p0 $0xFFFF8000  }
0x43: {  	[hbm4b:s24+s23] =	stream.linear.scatter @!p0 [tilespmem:s26], [sflag:$0x4], $0x8000, $0x38;
	[tilespmem:$0x10400] =	vst v63  }
0x44: {  	p1 =	seq.s32 s21, $0x0;
	_ =	swait.ge [sflag:s22], $0x8000  }
0x45: {  	s23 =	simm.s32 @p1 $0x4;
	s24 =	simm.s32 @p1 $0x0;
	[sflag:s22] =	ssyncset.done $0x0  }
0x46: {  	s25 =	simm.s32 @p1 $0x200;
	p0 =	seq.s32 s21, $0x1;
	[sflag:s22] =	ssyncadd.s32 $0xFFFF8000  }
0x47: {  	[tilespmem:s25], [sflag:$0x4] =	stream.linear.gather @p1 [hbm4b:s20+s24], $0x200, $0x38;
	[tilespmem:$0x10400] =	vst v63  }
0x48: {  	s21 =	simm.s32 @p1 $0x8400;
	s22 =	sor.u32 @!p0 s5, s18;
	_ =	swait.ge @p1 [sflag:s23], $0x200  }
0x49: {  	p2 =	sne.s32 @!p0 s5, $0x0;
	p3 =	seq.s32 @!p0 s22, $0x0;
	[sflag:s23] =	ssyncset.done @p1 $0x0  }
0x4a: {  	s22 =	simm.s32 @!p1 $0x4;
	p2 =	por @!p0 !p2, !p3;
	[sflag:s23] =	ssyncadd.s32 @p1 $0xFFFFFE00  }
0x4b: {  	[tilespmem:s21], [sflag:$0x2] =	stream.indirect.gather @p1 [hbm4b:s4+s25], $0x40, s25, s25, $0xb8;
	[tilespmem:$0x10400] =	vst v63  }
0x4c: {  	s24 =	simm.s32 @!p1 $0x200;
	p2 =	por @!p0 !p2, !p2;
	s21 =	simm.s32 @!p1 $0x0  }
0x4d: {  	[tilespmem:s21], [sflag:$0x4] =	stream.linear.gather @!p1 [hbm4b:s20+s21], $0x200, $0x38;
	[tilespmem:$0x10400] =	vst v63  }
0x4e: {  	p2 =	por !p2, p0;
	s25 =	simm.s32 @!p0 $0x1;
	_ =	swait.ge @!p1 [sflag:s22], $0x200  }
0x4f: {  	s25 =	simm.s32 @p2 $0x0;
	s20 =	simm.s32 @!p1 $0x400;
	[sflag:s22] =	ssyncset.done @!p1 $0x0  }
0x50: {  	s18 =	ssub.s32 @!p0 s18, s25;
	[sflag:s22] =	ssyncadd.s32 @!p1 $0xFFFFFE00;
	s22 =	simm.s32 @p0 $0x2  }
0x51: {  	[tilespmem:s20], [sflag:$0x1] =	stream.indirect.gather @!p1 [hbm4b:s4+s24], $0x40, s21, s24, $0xb8;
	[tilespmem:$0x10400] =	vst v63  }
0x52: {  	s18 =	sshll.u32 @!p0 s18, $0x14;
	_ =	swait.ge @p0 [sflag:s22], $0x8000  }
0x53: {  	s18 =	sor.u32 @!p0 s7, s18;
	s20 =	simm.s32 @!p0 $0x1;
	[sflag:s22] =	ssyncset.done @p0 $0x0  }
0x54: {  	s21 =	simm.s32 @p0 $0x8400;
	[sflag:s22] =	ssyncadd.s32 @p0 $0xFFFF8000;
	s22 =	simm.s32 @p0 $0x0  }
0x55: {  	[hbm4b:s19+s22] =	stream.linear.scatter @p0 [tilespmem:s21], [sflag:$0x3], $0x8000, $0x38;
	[tilespmem:$0x10400] =	vst v63  }
0x56: {  	s23 =	simm.s32 @!p0 $0x4;
	s18 =	sshrl.u32 @!p0 s18, $0x3;
	_ =	swait.ge @!p0 [sflag:s20], $0x8000  }
0x57: {  	s23 =	simm.s32 @p0 $0x3;
	s18 =	sadd.s32 @!p0 s1, s18;
	[sflag:s20] =	ssyncset.done @!p0 $0x0  }
0x58: {  	s19 =	simm.s32 @!p0 $0x400;
	s21 =	simm.s32 @!p0 $0x0;
	[sflag:s20] =	ssyncadd.s32 @!p0 $0xFFFF8000  }
0x59: {  	[hbm4b:s18+s21] =	stream.linear.scatter @!p0 [tilespmem:s19], [sflag:$0x4], $0x8000, $0x38;
	[tilespmem:$0x10400] =	vst v63  }
0x5a: {  	_ =	swait.ge [sflag:s23], $0x8000  }
0x5b: {  	[sflag:s23] =	ssyncset.done $0x0  }
0x5c: {  	[sflag:s23] =	ssyncadd.s32 $0xFFFF8000  }
0x5d: {  	s17 =	sadd.s32 $0x1, s17;
	_ =	swait.ge [sflag:s15], $0x8000  }
0x5e: {  	p0 =	sne.s32 s17, s9;
	[sflag:s15] =	ssyncset.done $0x0  }
.Ltmp1:
0x5f: {  	[sflag:s15] =	ssyncadd.s32 $0xFFFF8000;
	(pc) =	sbr.rel @p0 .LBB2_1-.Ltmp1, $4  }
0x60: {  	[hbm4b:s8+s3] =	stream.linear.scatter [tilespmem:s16], [sflag:$0x3], $0x8000, $0x38;
	[tilespmem:$0x10400] =	vst v63  }
0x61: {  	_ =	swait.ge [sflag:s12], $0x8000  }
0x62: {  	[sflag:s12] =	ssyncset.done $0x0  }
0x63: {  	[sflag:s12] =	ssyncadd.s32 $0xFFFF8000  }
0x64: {  	_ =	sfence.sel $0x180000  }
0x65: {  	[bflag:$0x0] =	sbarrier.arrive $0xFFFF  }
0x66: {  	p0 =	sne.s32 s2, $0x0;
	_ =	strace $0x90000047  }
0x67: {  	s0 =	sadd.s32 @!p0 $0x100000, s0;
	[bflag:$0x2] =	sbarrier.arrive $0xFFFF  }
0x68: {  	[sflag:s0] =	ssyncadd.tile.s32 @!p0 $0x1;
	_ =	shalt  }
.Lfunc_end2:
_tile_overlayer_lowered:
.L_overlay_start_2:
0x69: {  	(tag) =	ssettag $0x2  }
0x6a: {  	s0 =	rddreg [dreg:$0x0];
	s2 =	stileid.u32  }
0x6b: {  	s1 =	rddreg [dreg:$0x1];
	p0 =	sne.s32 s2, $0x0  }
0x6c: {  	s3 =	rddreg [dreg:$0x2];
	[bflag:$0x3] =	sbarrier.arrive $0xFFFF;
	s2 =	simm.s32 @!p0 $0x1C03  }
0x6d: {  	[timem:s3], [sflag:s2] =	dma.local @!p0 [hbm:s0], s1  }
0x6e: {  	s0 =	simm.s32 @!p0 $0x3  }
0x6f: {  	_ =	swait.ge @!p0 [sflag:s0], s1  }
0x70: {  	s1 =	ssub.s32 @!p0 $0x0, s1;
	[sflag:s0] =	ssyncset.done @!p0 $0x0  }
0x71: {  	[sflag:s0] =	ssyncadd.s32 @!p0 s1  }
0x72: {  	[bflag:$0x3] =	sbarrier.arrive $0xFFFF  }
0x73: {  	_ =	shalt  }

// kernel: sparse-core-data-format-call.cloned.1.call-start
scs
called_computation_lowered:
.L_overlay_start_0:
0x0: {  	s2 =	sld [smem:$0x3FD9]  }
0x1: {  	s3 =	sld [smem:$0x3FFE];
	_ =	sdelay $0x1  }
0x2: {  	s1 =	srdreg.scid  }
0x3: {  	s0 =	sand.u32 $0x1, s1  }
0x4: {  	s18 =	sshll.u32 s0, $0xA;
	s2 =	sadd.s32 s3, s2  }
0x5: {  	s2 =	sadd.s32 s2, s18  }
0x6: {  	[smem:$0x3FC6] =	sst s2  }
0x7: {  	_ = 	snop  }
0x8: {  	s2 =	sld [smem:$0x3FD0];
	(tm) =	ssettm $0x1  }
0x9: {  	s19 =	sld [smem:$0x3FFB];
	_ =	sdelay $0x3  }
0xa: {  	_ =	strace s19  }
0xb: {  	s3 =	sld [smem:$0x3FFC];
	_ =	sdelay $0x3  }
0xc: {  	_ =	strace s3  }
0xd: {  	s3 =	sld [smem:$0x3FFD];
	_ =	sdelay $0x3  }
0xe: {  	_ =	strace s3  }
0xf: {  	_ =	strace $0x8FFFFFFF  }
0x10: {  	s20 =	sld [smem:$0x3FDB];
	_ =	sdelay $0x1  }
0x11: {  	s4 =	simm.s32 $_scs_section_size  }
0x12: {  	s5 =	simm.s32 $_size__tile_overlayer_lowered;
	s6 =	simm.s32 $_tile_overlayer_lowered  }
0x13: {  	s23 =	simm.s32 $0x1BFF;
	s22 =	sshll.u32 s6, $0x1;
	s3 =	sadd.s32 s4, s20  }
0x14: {  	s7 =	simm.s32 $0x0;
	s21 =	sshll.u32 s5, $0x1;
	s5 =	sadd.s32 s22, s3  }
0x15: {  	[timem:s7], [sflag:s23] =	dma.local [hbm:s5], s21  }
0x16: {  	_ =	swait.ge [sflag:s23], s21  }
0x17: {  	s4 =	ssub.s32 $0x0, s21;
	[sflag:s23] =	ssyncset.done $0x0  }
0x18: {  	[sflag:s23] =	ssyncadd.s32 s4;
	_ =	sdelay $0x1  }
0x19: {  	s24 =	simm.s32 $0x1B8B  }
0x1a: {  	_ =	swait.ge [sflag:s24], $0x1  }
0x1b: {  	[sflag:s24] =	ssyncset.done $0x0  }
0x1c: {  	s26 =	simm.s32 $0x1B8E;
	s25 =	sld [smem:$0x3FFE];
	[sflag:s24] =	ssyncadd.s32 $0xFFFFFFFF  }
0x1d: {  	s27 =	simm.s32 $execute0_lowered;
	[smem:$0x3FD2] =	sst s26  }
0x1e: {  	s5 =	sshll.u32 s27, $0x1;
	_ =	strace $0x80000049;
	[dreg:$0x1] =	wrdreg $0xFFFFFFFF  }
0x1f: {  	s28 =	simm.s32 $_size_execute0_lowered;
	s3 =	sadd.s32 s3, s5;
	[dreg:$0x0] =	wrdreg $0x0  }
0x20: {  	s5 =	sshll.u32 s28, $0x1;
	[dreg:$0x2] =	wrdreg s3  }
0x21: {  	[dreg:$0x3] =	wrdreg s5  }
0x22: {  	[dreg:$0x4] =	wrdreg $0xC0  }
0x23: {  	_ =	task [dreg:s7], $0x5FFFF  }
0x24: {  	[dreg:$0x1] =	wrdreg $0xFFFFFFFF  }
0x25: {  	[dreg:$0x0] =	wrdreg $0x60  }
0x26: {  	[dreg:$0x2] =	wrdreg s25  }
0x27: {  	[dreg:$0x3] =	wrdreg s2  }
0x28: {  	[dreg:$0x4] =	wrdreg $0x9  }
0x29: {  	_ =	task.clear_ibuf [dreg:s7], $0x5FFFF;
	_ =	strace $0x90000049  }
0x2a: {  	s29 =	simm.s32 $0x9;
	_ =	strace $0x8000004B  }
0x2b: {  	_ =	swait.ge [sflag:s29], $0x1  }
0x2c: {  	[sflag:s29] =	ssyncadd.s32 $0xFFFFFFFF  }
0x2d: {  	_ =	strace $0x9000004B  }
0x2e: {  	_ =	sfence  }
0x2f: {  	s30 =	sld [smem:$0x0];
	_ =	sdelay $0x2  }
0x30: {  	s31 =	sshll.u32 s1, $0xD;
	s1 =	sshrl.u32 s1, $0x2  }
0x31: {  	s3 =	sand.u32 $0x4000, s31;
	s1 =	sadd.s32 s1, s30  }
0x32: {  	s0 =	sor.u32 s3, s0;
	s1 =	sshll.u32 s1, $0x11  }
0x33: {  	s0 =	sor.u32 s1, s0  }
0x34: {  	s0 =	sadd.s32 $0x8F2B, s0  }
0x35: {  	[sflag:s0] =	ssyncadd.remote.s32 $0x1  }
0x36: {  	_ =	sfence.sel $0xFFFF  }
0x37: {  	[dreg:$0x0] =	wrdreg $0xFFFFFFFF;
	(pc) =	sbr.abs _section_cstart, $3  }
0x38: {  	[dreg:$0x1] =	wrdreg $0xFFFFFFFF  }
0x39: {  	_ =	task.clear_ibuf [dreg:s7], $0x2FFFF;
	_ =	strace $0x9FFFFFFF  }
0x3a: {  	(tm) =	ssettm $0x7FFFFFFF  }
0x3b: {  	_ =	shalt  }
tec
execute0_lowered:
.L_overlay_start_1:
0x0: {  	(tag) =	ssettag $0x1  }
0x1: {  	s0 =	srdreg.scid  }
0x2: {  	s1 =	sshll.u32 s0, $0x4  }
0x3: {  	s0 =	stileid.u32;
	s1 =	sand.u32 $0x10, s1  }
0x4: {  	s7 =	rddreg [dreg:$0x0];
	s1 =	sor.u32 s0, s1  }
0x5: {  	s4 =	simm.s32 $0x1;
	s8 =	simm.s32 $0x2;
	s2 =	sshll.u32 s1, $0x7  }
0x6: {  	s13 =	simm.s32 $0x0;
	s9 =	simm.s32 $0x20000;
	s1 =	ssub.s32 $0x4000, s2  }
0x7: {  	s14 =	simm.s32 $0x0;
	s11 =	simm.s32 $0x0;
	s3 =	sand.u32 $0xF80, s1  }
0x8: {  	s12 =	simm.s32 $0x0;
	s5 =	sshrl.u32 s1, $0xC;
	p0 =	sne.s32 s3, $0x0  }
.Ltmp0:
0x9: {  	s1 =	rddreg [dreg:$0x2];
	s4 =	simm.s32 @!p0 $0x0;
	(pc) =	sbr.rel .LBB1_1-.Ltmp0, $4  }
0xa: {  	s6 =	sadd.s32 $0xA00, s7;
	s3 =	rddreg [dreg:$0x1];
	s5 =	sadd.s32 s4, s5  }
0xb: {  	_ =	strace $0x8000004A;
	s4 =	simm.s32 $0x1;
	s5 =	smul.u32 $0x19, s5  }
0xc: {  	s7 =	sadd.s32 $0x40A00, s7;
	s10 =	smov.u32 s2;
	[sflag:s4] =	ssyncpa.u1 $0x0  }
0xd: {  	p0 =	por $0x0, $0x0;
	[sflag:s8] =	ssyncpa.u1 $0x0;
	s8 =	sadd.s32 $0x1, s5  }
.LBB1_7:
0xe: {  	s15 =	sadd.s32 $0x1000, s10  }
0xf: {  	s13 =	sadd.s32 $0x2, s11;
	s17 =	smov.u32 s11;
	p2 =	sgt.s32 s15, $0x3FFF  }
0x10: {  	s17 =	smov.u32 @p2 s13  }
0x11: {  	s15 =	smov.u32 @p2 s2;
	p2 =	sgt.s32 s17, $0x31  }
0x12: {  	s17 =	simm.s32 @p2 $0x0;
	p2 =	sne.s32 s12, s8  }
.Ltmp1:
0x13: {  	p1 =	slt.u32 s12, $0x2;
	(pc) =	sbr.rel @!p2 .LBB1_8-.Ltmp1, $4  }
0x14: {  	s16 =	simm.s32 @!p1 $0x2  }
0x15: {  	s14 =	smov.u32 s11;
	p0 =	por !p0, !p0;
	_ =	swait.ge @!p1 [sflag:s16], $0x4000  }
0x16: {  	s13 =	smov.u32 s10;
	[sflag:s16] =	ssyncset.done @!p1 $0x0;
	s10 =	smov.u32 s15  }
0x17: {  	s12 =	sadd.s32 $0x1, s12;
	[sflag:s16] =	ssyncadd.s32 @!p1 $0xFFFFC000;
	s11 =	smov.u32 s17  }
.LBB1_1:
0x18: {  	p1 =	sge.u32 s12, s5  }
0x19: {  	s15 =	sxor.u32 @!p1 $0xFFFFFFFF, s12;
	s16 =	sshll.u32 @!p1 s11, $0x12  }
0x1a: {  	s17 =	sshll.u32 @!p1 s10, $0x4;
	s19 =	simm.s32 @!p1 $0x40;
	s20 =	simm.s32 @!p1 $0x80  }
0x1b: {  	s15 =	sshll.u32 @!p1 s15, $0xE;
	s17 =	sand.u32 @!p1 $0x3FFF0, s17;
	s18 =	sadd.s32 @!p1 s6, s16  }
0x1c: {  	s16 =	sadd.s32 @!p1 s16, s7;
	s15 =	sand.u32 @!p1 $0x4000, s15;
	s18 =	sadd.s32 @!p1 s17, s18  }
0x1d: {  	[tilespmem:s15], [sflag:$0x1] =	stream.strided.gather @!p1 [hbm4b:s18+s19], $0x2000, s20, s19, $0x38;
	[tilespmem:$0x10100] =	vst v63  }
0x1e: {  	s31 =	sadd.s32 $0xFFFFFFFF, s12;
	s16 =	sadd.s32 @!p1 s17, s16;
	s15 =	sor.u32 @!p1 $0x2000, s15  }
0x1f: {  	[tilespmem:s15], [sflag:$0x1] =	stream.strided.gather @!p1 [hbm4b:s16+s19], $0x2000, s20, s19, $0x38;
	[tilespmem:$0x10100] =	vst v63  }
0x20: {  	p1 =	sge.u32 s31, s5  }
.Ltmp2:
0x21: {  	_ = 	snop;
	(pc) =	sbr.rel @p1 .LBB1_7-.Ltmp2, $1  }
0x22: {  	_ =	sdelay $0x3  }
0x23: {  	s15 =	simm.s32 $0x1;
	s17 =	sand.u32 $0x1, s12  }
0x24: {  	_ =	swait.ge [sflag:s4], $0x4000;
	s15 =	simm.s32 @!p0 $0x0;
	s17 =	smul.u32 $0x10200, s17  }
0x25: {  	p2 =	por $0x1, $0x1;
	[sflag:s4] =	ssyncset.done $0x0;
	s16 =	smul.u32 $0x10200, s15  }
0x26: {  	s18 =	sshll.u32 s15, $0x10;
	[sflag:s4] =	ssyncadd.s32 $0xFFFFC000;
	s30 =	sshrl.u32 s17, $0x2  }
0x27: {  	s31 =	sshrl.u32 s18, $0x2;
	s18 =	simm.s32 $0x0;
	s16 =	sshrl.u32 s16, $0x2  }
0x28: {  	s15 =	sor.u32 $0x8000, s30;
	s17 =	sadd.s32 $0x20, s31;
	s16 =	sor.u32 $0x8000, s16  }
.LBB1_3:
0x29: {  	s19 =	sshll.u32 s18, $0xD  }
0x2a: {  	s19 =	sand.u32 $0x3FFFE000, s19  }
0x2b: {  	s21 =	sadd.s32 s19, s17  }
0x2c: {  	s31 =	smul.u32 $0x8100, s18;
	v3 =	vld [tilespmem:s21+$0x10]  }
0x2d: {  	v1 =	vld [tilespmem:s21+$0xFFFFFFF0]  }
0x2e: {  	s18 =	sshra.s32 s31, $0x2;
	v0 =	vld [tilespmem:s21+$0x0]  }
0x2f: {  	s18 =	sadd.s32 s18, s16;
	v2 =	vld [tilespmem:s21+$0xFFFFFFE0]  }
0x30: {  	s19 =	sadd.s32 $0x0, s18  }
0x31: {  	p1 =	por p2, p2;
	s20 =	simm.s32 $0x4;
	s21 =	sadd.s32 $0x40, s21;
	[tilespmem:s19+$0x1830 ss:$0x81] =	vst.msk $0xffff, v3  }
.LBB1_4:
0x32: {  	v3 =	vld [tilespmem:s21+$0x10];
	p2 =	sne.s32 s20, $0x1FC;
	[tilespmem:s19+$0x810 ss:$0x81] =	vst.msk $0xffff, v1;
	s22 =	smov.u32 s20;
	s20 =	sadd.s32 $0x4, s20  }
.Ltmp3:
0x33: {  	v1 =	vld [tilespmem:s21+$0xFFFFFFF0];
	[tilespmem:s19+$0x1020 ss:$0x81] =	vst.msk $0xffff, v0;
	(pc) =	sbr.rel @p2 .LBB1_4-.Ltmp3, $4  }
0x34: {  	v0 =	vld [tilespmem:s21+$0x0];
	[tilespmem:s19+$0x0 ss:$0x81] =	vst.msk $0xffff, v2  }
0x35: {  	s19 =	sshra.s32 s22, $0x2;
	v2 =	vld [tilespmem:s21+$0xFFFFFFE0]  }
0x36: {  	s19 =	sadd.s32 s19, s18  }
0x37: {  	s21 =	sadd.s32 $0x40, s21;
	[tilespmem:s19+$0x1830 ss:$0x81] =	vst.msk $0xffff, v3  }
.Ltmp4:
0x38: {  	(pc) =	sbr.rel @p1 .LBB1_3-.Ltmp4, $4  }
0x39: {  	_ = 	snop  }
0x3a: {  	[tilespmem:s19+$0x810 ss:$0x81] =	vst.msk $0xffff, v1  }
0x3b: {  	[tilespmem:s19+$0x1020 ss:$0x81] =	vst.msk $0xffff, v0  }
0x3c: {  	s18 =	simm.s32 $0x1;
	p2 =	por $0x0, $0x0;
	[tilespmem:s19+$0x0 ss:$0x81] =	vst.msk $0xffff, v2  }
0x3d: {  	s16 =	sshll.u32 s13, $0x3;
	s17 =	sand.u32 $0x78, s13;
	s14 =	sshll.u32 s14, $0x11  }
.Ltmp5:
0x3e: {  	s30 =	sand.u32 $0x1F800, s13;
	s16 =	sand.u32 $0x3C00, s16;
	(pc) =	sbr.rel .LBB1_7-.Ltmp5, $4  }
0x3f: {  	s31 =	sand.u32 $0x7, s13;
	s14 =	sadd.s32 s3, s14;
	s16 =	sor.u32 s17, s16  }
0x40: {  	s13 =	sshll.u32 s31, $0x12;
	s14 =	sadd.s32 s30, s14;
	s16 =	sshrl.u32 s16, $0x3  }
0x41: {  	s13 =	sor.u32 $0x400, s13;
	s14 =	sadd.s32 s16, s14  }
0x42: {  	[hbm4b:s14+s13] =	stream.strided.scatter [tilespmem:s15], [sflag:$0x2], $0x4000, s9, s13, $0x20;
	[tilespmem:$0x10100] =	vst v63  }
.LBB1_8:
0x43: {  	_ =	sfence.sel $0x180000  }
0x44: {  	s2 =	simm.s32 $0x1;
	[bflag:$0x0] =	sbarrier.arrive $0xFFFF  }
0x45: {  	s31 =	simm.s32 $0x2;
	[sflag:s2] =	ssyncpa.u1 $0x1  }
0x46: {  	[sflag:s31] =	ssyncpa.u1 $0x1  }
0x47: {  	p0 =	sne.s32 s0, $0x0;
	_ =	strace $0x9000004A  }
0x48: {  	s0 =	sadd.s32 @!p0 $0x100000, s1;
	[bflag:$0x2] =	sbarrier.arrive $0xFFFF  }
0x49: {  	[sflag:s0] =	ssyncadd.tile.s32 @!p0 $0x1;
	_ =	shalt  }
.Lfunc_end1:
_tile_overlayer_lowered:
.L_overlay_start_2:
0x4a: {  	(tag) =	ssettag $0x2  }
0x4b: {  	s0 =	rddreg [dreg:$0x0];
	s2 =	stileid.u32  }
0x4c: {  	s1 =	rddreg [dreg:$0x1];
	p0 =	sne.s32 s2, $0x0  }
0x4d: {  	s3 =	rddreg [dreg:$0x2];
	[bflag:$0x3] =	sbarrier.arrive $0xFFFF;
	s2 =	simm.s32 @!p0 $0x1C01  }
0x4e: {  	[timem:s3], [sflag:s2] =	dma.local @!p0 [hbm:s0], s1  }
0x4f: {  	s0 =	simm.s32 @!p0 $0x1  }
0x50: {  	_ =	swait.ge @!p0 [sflag:s0], s1  }
0x51: {  	s1 =	ssub.s32 @!p0 $0x0, s1;
	[sflag:s0] =	ssyncset.done @!p0 $0x0  }
0x52: {  	[sflag:s0] =	ssyncadd.s32 @!p0 s1  }
0x53: {  	[bflag:$0x3] =	sbarrier.arrive $0xFFFF  }
0x54: {  	_ =	shalt  }

</sc_bundles>
